<compile_context>
chip_gen: v7x
topology: tpu7x:2x2x1
jax: 0.10.2.dev20260603
libtpu: 0.0.44.dev20260713+nightly
codegen_flags: <defaults>
</compile_context>

<pallas_src>
import functools

import jax
import jax.numpy as jnp
from jax import lax
from jax.experimental import pallas as pl
from jax.experimental.pallas import tpu as pltpu
from jax.experimental.pallas import tpu_sc as plsc

_NUM_CORES = 2
_NUM_SUBCORES = 16
_NW = _NUM_CORES * _NUM_SUBCORES
_L = 16


def _onehot_kernel(B, D):
  b_per_w = B // _NW
  n_groups = b_per_w // _L
  mesh = plsc.VectorSubcoreMesh(core_axis_name="c", subcore_axis_name="s")

  @functools.partial(
      pl.kernel,
      mesh=mesh,
      out_type=jax.ShapeDtypeStruct((B, D), jnp.float32),
      scratch_types=[
          pltpu.VMEM((b_per_w,), jnp.int32),
          pltpu.VMEM((b_per_w, D), jnp.float32),
          pltpu.SemaphoreType.DMA,
      ],
      compiler_params=pltpu.CompilerParams(needs_layout_passes=False),
  )
  def k(idx_hbm, out_hbm, idx_v, out_v, sem):
    wid = lax.axis_index("s") * _NUM_CORES + lax.axis_index("c")
    base = wid * b_per_w
    idx_cp = pltpu.async_copy(idx_hbm.at[pl.ds(base, b_per_w)], idx_v, sem)

    zeros = jnp.zeros((_L,), jnp.float32)
    _UNROLL = 8

    def zero_rows(i, _):
      r0 = i * _UNROLL
      for dr in range(_UNROLL):
        out_v[r0 + dr, pl.ds(0, _L)] = zeros
        out_v[r0 + dr, pl.ds(_L, _L)] = zeros
      return _

    lax.fori_loop(0, b_per_w // _UNROLL, zero_rows, 0)

    idx_cp.wait()
    iota_lo = lax.iota(jnp.int32, _L)
    ones = jnp.ones((_L,), jnp.float32)

    def scatter_groups(i, _):
      for dg in range(4):
        g = i * 4 + dg
        s_vec = idx_v[pl.ds(g * _L, _L)]
        mask = s_vec < D
        s_clamped = jnp.where(mask, s_vec, 0)
        r_vec = g * _L + iota_lo
        plsc.store_scatter(out_v, [r_vec, s_clamped], ones, mask=mask)
      return _

    lax.fori_loop(0, n_groups // 4, scatter_groups, 0)

    pltpu.sync_copy(out_v, out_hbm.at[pl.ds(base, b_per_w)])

  return k


def kernel(state, embedding):
  B = state.shape[0]
  D = embedding.shape[1]
  del embedding
  return _onehot_kernel(B, D)(state.astype(jnp.int32))

# --- scband reference (transcript-rebuilt; emitter-appended) ---
"""Pipeline reference for scband-discrete-obs-31439160607006 (READ-ONLY COPY).

The authoritative reference and input builder live on the scoring server;
editing this copy changes nothing except your own understanding.
"""

import jax, jax.numpy as jnp
import numpy as np

N_STATES = 1000000
D_OBS = 32
BATCH = 16384

def setup_inputs(seed: int = 0) -> dict:
    key = jax.random.key(seed)
    k_idx, = jax.random.split(key, 1)
    state = jax.random.randint(k_idx, (BATCH,), 0, N_STATES, dtype=jnp.int64 if jax.config.jax_enable_x64 else jnp.int32)
    # learned parameter: embedding table initialized with eye(n_states, d_obs)
    embedding = jnp.eye(N_STATES, D_OBS, dtype=jnp.float32)
    return {"state": state, "embedding": embedding}

def reference(state, embedding):
    # nn.Embed(n_states, d_obs)(state) == table row gather
    return jnp.take(embedding, state, axis=0)

if __name__ == "__main__":
    import jax
    _d = setup_inputs()
    print(jax.jit(kernel)(*tuple(_d.values())))

</pallas_src>

<mosaic_0001>
#map = affine_map<(d0, d1) -> (0)>
#map1 = affine_map<(d0, d1) -> (0, 0)>
module attributes {stable_mosaic.version = 14 : i64} {
  func.func @k(%arg0: i32, %arg1: i32, %arg2: memref<16384xi32, #tpu.memory_space<hbm>>, %arg3: memref<16384x32xf32, #tpu.memory_space<hbm>>, %arg4: memref<512xi32, #tpu.memory_space<vmem>>, %arg5: memref<512x32xf32, #tpu.memory_space<vmem>>, %arg6: memref<!tpu.dma_semaphore, #tpu.memory_space<semaphore_mem>>) attributes {dimension_semantics = [#tpu.dimension_semantics<core_parallel>, #tpu.dimension_semantics<subcore_parallel>], iteration_bounds = array<i64: 2, 16>, scalar_prefetch = 0 : i64, scratch_operands = 3 : i64, tpu.core_type = #tpu.core_type<sc_vector_subcore>, window_params = [{transform_indices = #map}, {transform_indices = #map1}]} {
    %mul3A = arith.constant 2 : i32
    %mul3A_0 = arith.muli %arg1, %mul3A : i32
    %add3A = arith.addi %mul3A_0, %arg0 : i32
    %mul3A_1 = arith.constant 512 : i32
    %mul3A_2 = arith.muli %add3A, %mul3A_1 : i32
    %dma_start3A = tpu.memref_slice %arg2[%mul3A_2] : memref<16384xi32, #tpu.memory_space<hbm>> -> memref<512xi32, #tpu.memory_space<hbm>>
    %dma_start3A_3 = tpu.memref_slice %arg2[%mul3A_2] : memref<16384xi32, #tpu.memory_space<hbm>> -> memref<512xi32, #tpu.memory_space<hbm>>
    tpu.enqueue_dma source(%dma_start3A_3 : memref<512xi32, #tpu.memory_space<hbm>>) target(%arg4 : memref<512xi32, #tpu.memory_space<vmem>>) target_semaphore(%arg6 : memref<!tpu.dma_semaphore, #tpu.memory_space<semaphore_mem>>)
    %broadcast_in_dim3A = arith.constant 0.000000e+00 : f32
    %broadcast_in_dim3A_4 = vector.broadcast %broadcast_in_dim3A : f32 to vector<16xf32>
    %scan3A = arith.constant 0 : i32
    %scan3A_5 = arith.constant 0 : i32
    %scan3A_6 = arith.constant 64 : i32
    %scan3A_7 = arith.addi %scan3A_5, %scan3A_6 : i32
    %scan3A_8 = arith.constant 1 : i32
    scf.for %scan3A_19 = %scan3A_5 to %scan3A_7 step %scan3A_8  : i32 {
      %mul3A_20 = arith.constant 8 : i32
      %mul3A_21 = arith.muli %scan3A_19, %mul3A_20 : i32
      %add3A_22 = arith.constant 0 : i32
      %add3A_23 = arith.addi %mul3A_21, %add3A_22 : i32
      %swap3A = arith.index_cast %add3A_23 : i32 to index
      %swap3A_24 = arith.constant 0 : index
      %swap3A_25 = tpu.vector_load %arg5[%swap3A, %swap3A_24] {strides = array<i32>} : memref<512x32xf32, #tpu.memory_space<vmem>>, vector<16xf32>,
      tpu.vector_store %arg5[%swap3A, %swap3A_24], %broadcast_in_dim3A_4 {strides = array<i32>} : memref<512x32xf32, #tpu.memory_space<vmem>>, vector<16xf32>,
      %add3A_26 = arith.constant 0 : i32
      %add3A_27 = arith.addi %mul3A_21, %add3A_26 : i32
      %swap3A_28 = arith.index_cast %add3A_27 : i32 to index
      %swap3A_29 = arith.constant 16 : index
      %swap3A_30 = tpu.vector_load %arg5[%swap3A_28, %swap3A_29] {strides = array<i32>} : memref<512x32xf32, #tpu.memory_space<vmem>>, vector<16xf32>,
      tpu.vector_store %arg5[%swap3A_28, %swap3A_29], %broadcast_in_dim3A_4 {strides = array<i32>} : memref<512x32xf32, #tpu.memory_space<vmem>>, vector<16xf32>,
      %add3A_31 = arith.constant 1 : i32
      %add3A_32 = arith.addi %mul3A_21, %add3A_31 : i32
      %swap3A_33 = arith.index_cast %add3A_32 : i32 to index
      %swap3A_34 = arith.constant 0 : index
      %swap3A_35 = tpu.vector_load %arg5[%swap3A_33, %swap3A_34] {strides = array<i32>} : memref<512x32xf32, #tpu.memory_space<vmem>>, vector<16xf32>,
      tpu.vector_store %arg5[%swap3A_33, %swap3A_34], %broadcast_in_dim3A_4 {strides = array<i32>} : memref<512x32xf32, #tpu.memory_space<vmem>>, vector<16xf32>,
      %add3A_36 = arith.constant 1 : i32
      %add3A_37 = arith.addi %mul3A_21, %add3A_36 : i32
      %swap3A_38 = arith.index_cast %add3A_37 : i32 to index
      %swap3A_39 = arith.constant 16 : index
      %swap3A_40 = tpu.vector_load %arg5[%swap3A_38, %swap3A_39] {strides = array<i32>} : memref<512x32xf32, #tpu.memory_space<vmem>>, vector<16xf32>,
      tpu.vector_store %arg5[%swap3A_38, %swap3A_39], %broadcast_in_dim3A_4 {strides = array<i32>} : memref<512x32xf32, #tpu.memory_space<vmem>>, vector<16xf32>,
      %add3A_41 = arith.constant 2 : i32
      %add3A_42 = arith.addi %mul3A_21, %add3A_41 : i32
      %swap3A_43 = arith.index_cast %add3A_42 : i32 to index
      %swap3A_44 = arith.constant 0 : index
      %swap3A_45 = tpu.vector_load %arg5[%swap3A_43, %swap3A_44] {strides = array<i32>} : memref<512x32xf32, #tpu.memory_space<vmem>>, vector<16xf32>,
      tpu.vector_store %arg5[%swap3A_43, %swap3A_44], %broadcast_in_dim3A_4 {strides = array<i32>} : memref<512x32xf32, #tpu.memory_space<vmem>>, vector<16xf32>,
      %add3A_46 = arith.constant 2 : i32
      %add3A_47 = arith.addi %mul3A_21, %add3A_46 : i32
      %swap3A_48 = arith.index_cast %add3A_47 : i32 to index
      %swap3A_49 = arith.constant 16 : index
      %swap3A_50 = tpu.vector_load %arg5[%swap3A_48, %swap3A_49] {strides = array<i32>} : memref<512x32xf32, #tpu.memory_space<vmem>>, vector<16xf32>,
      tpu.vector_store %arg5[%swap3A_48, %swap3A_49], %broadcast_in_dim3A_4 {strides = array<i32>} : memref<512x32xf32, #tpu.memory_space<vmem>>, vector<16xf32>,
      %add3A_51 = arith.constant 3 : i32
      %add3A_52 = arith.addi %mul3A_21, %add3A_51 : i32
      %swap3A_53 = arith.index_cast %add3A_52 : i32 to index
      %swap3A_54 = arith.constant 0 : index
      %swap3A_55 = tpu.vector_load %arg5[%swap3A_53, %swap3A_54] {strides = array<i32>} : memref<512x32xf32, #tpu.memory_space<vmem>>, vector<16xf32>,
      tpu.vector_store %arg5[%swap3A_53, %swap3A_54], %broadcast_in_dim3A_4 {strides = array<i32>} : memref<512x32xf32, #tpu.memory_space<vmem>>, vector<16xf32>,
      %add3A_56 = arith.constant 3 : i32
      %add3A_57 = arith.addi %mul3A_21, %add3A_56 : i32
      %swap3A_58 = arith.index_cast %add3A_57 : i32 to index
      %swap3A_59 = arith.constant 16 : index
      %swap3A_60 = tpu.vector_load %arg5[%swap3A_58, %swap3A_59] {strides = array<i32>} : memref<512x32xf32, #tpu.memory_space<vmem>>, vector<16xf32>,
      tpu.vector_store %arg5[%swap3A_58, %swap3A_59], %broadcast_in_dim3A_4 {strides = array<i32>} : memref<512x32xf32, #tpu.memory_space<vmem>>, vector<16xf32>,
      %add3A_61 = arith.constant 4 : i32
      %add3A_62 = arith.addi %mul3A_21, %add3A_61 : i32
      %swap3A_63 = arith.index_cast %add3A_62 : i32 to index
      %swap3A_64 = arith.constant 0 : index
      %swap3A_65 = tpu.vector_load %arg5[%swap3A_63, %swap3A_64] {strides = array<i32>} : memref<512x32xf32, #tpu.memory_space<vmem>>, vector<16xf32>,
      tpu.vector_store %arg5[%swap3A_63, %swap3A_64], %broadcast_in_dim3A_4 {strides = array<i32>} : memref<512x32xf32, #tpu.memory_space<vmem>>, vector<16xf32>,
      %add3A_66 = arith.constant 4 : i32
      %add3A_67 = arith.addi %mul3A_21, %add3A_66 : i32
      %swap3A_68 = arith.index_cast %add3A_67 : i32 to index
      %swap3A_69 = arith.constant 16 : index
      %swap3A_70 = tpu.vector_load %arg5[%swap3A_68, %swap3A_69] {strides = array<i32>} : memref<512x32xf32, #tpu.memory_space<vmem>>, vector<16xf32>,
      tpu.vector_store %arg5[%swap3A_68, %swap3A_69], %broadcast_in_dim3A_4 {strides = array<i32>} : memref<512x32xf32, #tpu.memory_space<vmem>>, vector<16xf32>,
      %add3A_71 = arith.constant 5 : i32
      %add3A_72 = arith.addi %mul3A_21, %add3A_71 : i32
      %swap3A_73 = arith.index_cast %add3A_72 : i32 to index
      %swap3A_74 = arith.constant 0 : index
      %swap3A_75 = tpu.vector_load %arg5[%swap3A_73, %swap3A_74] {strides = array<i32>} : memref<512x32xf32, #tpu.memory_space<vmem>>, vector<16xf32>,
      tpu.vector_store %arg5[%swap3A_73, %swap3A_74], %broadcast_in_dim3A_4 {strides = array<i32>} : memref<512x32xf32, #tpu.memory_space<vmem>>, vector<16xf32>,
      %add3A_76 = arith.constant 5 : i32
      %add3A_77 = arith.addi %mul3A_21, %add3A_76 : i32
      %swap3A_78 = arith.index_cast %add3A_77 : i32 to index
      %swap3A_79 = arith.constant 16 : index
      %swap3A_80 = tpu.vector_load %arg5[%swap3A_78, %swap3A_79] {strides = array<i32>} : memref<512x32xf32, #tpu.memory_space<vmem>>, vector<16xf32>,
      tpu.vector_store %arg5[%swap3A_78, %swap3A_79], %broadcast_in_dim3A_4 {strides = array<i32>} : memref<512x32xf32, #tpu.memory_space<vmem>>, vector<16xf32>,
      %add3A_81 = arith.constant 6 : i32
      %add3A_82 = arith.addi %mul3A_21, %add3A_81 : i32
      %swap3A_83 = arith.index_cast %add3A_82 : i32 to index
      %swap3A_84 = arith.constant 0 : index
      %swap3A_85 = tpu.vector_load %arg5[%swap3A_83, %swap3A_84] {strides = array<i32>} : memref<512x32xf32, #tpu.memory_space<vmem>>, vector<16xf32>,
      tpu.vector_store %arg5[%swap3A_83, %swap3A_84], %broadcast_in_dim3A_4 {strides = array<i32>} : memref<512x32xf32, #tpu.memory_space<vmem>>, vector<16xf32>,
      %add3A_86 = arith.constant 6 : i32
      %add3A_87 = arith.addi %mul3A_21, %add3A_86 : i32
      %swap3A_88 = arith.index_cast %add3A_87 : i32 to index
      %swap3A_89 = arith.constant 16 : index
      %swap3A_90 = tpu.vector_load %arg5[%swap3A_88, %swap3A_89] {strides = array<i32>} : memref<512x32xf32, #tpu.memory_space<vmem>>, vector<16xf32>,
      tpu.vector_store %arg5[%swap3A_88, %swap3A_89], %broadcast_in_dim3A_4 {strides = array<i32>} : memref<512x32xf32, #tpu.memory_space<vmem>>, vector<16xf32>,
      %add3A_91 = arith.constant 7 : i32
      %add3A_92 = arith.addi %mul3A_21, %add3A_91 : i32
      %swap3A_93 = arith.index_cast %add3A_92 : i32 to index
      %swap3A_94 = arith.constant 0 : index
      %swap3A_95 = tpu.vector_load %arg5[%swap3A_93, %swap3A_94] {strides = array<i32>} : memref<512x32xf32, #tpu.memory_space<vmem>>, vector<16xf32>,
      tpu.vector_store %arg5[%swap3A_93, %swap3A_94], %broadcast_in_dim3A_4 {strides = array<i32>} : memref<512x32xf32, #tpu.memory_space<vmem>>, vector<16xf32>,
      %add3A_96 = arith.constant 7 : i32
      %add3A_97 = arith.addi %mul3A_21, %add3A_96 : i32
      %swap3A_98 = arith.index_cast %add3A_97 : i32 to index
      %swap3A_99 = arith.constant 16 : index
      %swap3A_100 = tpu.vector_load %arg5[%swap3A_98, %swap3A_99] {strides = array<i32>} : memref<512x32xf32, #tpu.memory_space<vmem>>, vector<16xf32>,
      tpu.vector_store %arg5[%swap3A_98, %swap3A_99], %broadcast_in_dim3A_4 {strides = array<i32>} : memref<512x32xf32, #tpu.memory_space<vmem>>, vector<16xf32>,
    }
    %scan3A_9 = arith.constant 64 : i32
    %dma_wait3A = tpu.memref_slice %arg2[%mul3A_2] : memref<16384xi32, #tpu.memory_space<hbm>> -> memref<512xi32, #tpu.memory_space<hbm>>
    %dma_wait3A_10 = tpu.memref_slice %arg2[%mul3A_2] : memref<16384xi32, #tpu.memory_space<hbm>> -> memref<512xi32, #tpu.memory_space<hbm>>
    tpu.wait_dma2 semaphore(%arg6 : memref<!tpu.dma_semaphore, #tpu.memory_space<semaphore_mem>>) src(%dma_wait3A_10 : memref<512xi32, #tpu.memory_space<hbm>>) dst(%arg4 : memref<512xi32, #tpu.memory_space<vmem>>)
    %iota3A = tpu.iota {dimensions = array<i32: 0>} : vector<16xi32>
    %broadcast_in_dim3A_11 = arith.constant 1.000000e+00 : f32
    %broadcast_in_dim3A_12 = vector.broadcast %broadcast_in_dim3A_11 : f32 to vector<16xf32>
    %scan3A_13 = arith.constant 0 : i32
    %scan3A_14 = arith.constant 0 : i32
    %scan3A_15 = arith.constant 8 : i32
    %scan3A_16 = arith.addi %scan3A_14, %scan3A_15 : i32
    %scan3A_17 = arith.constant 1 : i32
    scf.for %scan3A_19 = %scan3A_14 to %scan3A_16 step %scan3A_17  : i32 {
      %mul3A_20 = arith.constant 4 : i32
      %mul3A_21 = arith.muli %scan3A_19, %mul3A_20 : i32
      %add3A_22 = arith.constant 0 : i32
      %add3A_23 = arith.addi %mul3A_21, %add3A_22 : i32
      %mul3A_24 = arith.constant 16 : i32
      %mul3A_25 = arith.muli %add3A_23, %mul3A_24 : i32
      %get3A = arith.index_cast %mul3A_25 : i32 to index
      %get3A_26 = tpu.vector_load %arg4[%get3A] {strides = array<i32>} : memref<512xi32, #tpu.memory_space<vmem>>, vector<16xi32>,
      %lt3A = arith.constant 32 : i32
      %lt3A_27 = vector.broadcast %lt3A : i32 to vector<16xi32>
      %lt3A_28 = arith.cmpi slt, %get3A_26, %lt3A_27 : vector<16xi32>
      %jit3A = arith.constant 0 : i32
      %broadcast_in_dim3A_29 = vector.broadcast %jit3A : i32 to vector<16xi32>
      %select_n3A = arith.select %lt3A_28, %get3A_26, %broadcast_in_dim3A_29 : vector<16xi1>, vector<16xi32>
      %mul3A_30 = arith.constant 16 : i32
      %mul3A_31 = arith.muli %add3A_23, %mul3A_30 : i32
      %add3A_32 = vector.broadcast %mul3A_31 : i32 to vector<16xi32>
      %add3A_33 = arith.addi %add3A_32, %iota3A : vector<16xi32>
      tpu.vector_store_idx %arg5[%add3A_33, %select_n3A], %broadcast_in_dim3A_12 masked %lt3A_28 : memref<512x32xf32, #tpu.memory_space<vmem>>[vector<16xi32>, vector<16xi32>], vector<16xf32>, vector<16xi1>
      %mul3A_34 = arith.constant 4 : i32
      %mul3A_35 = arith.muli %scan3A_19, %mul3A_34 : i32
      %add3A_36 = arith.constant 1 : i32
      %add3A_37 = arith.addi %mul3A_35, %add3A_36 : i32
      %mul3A_38 = arith.constant 16 : i32
      %mul3A_39 = arith.muli %add3A_37, %mul3A_38 : i32
      %get3A_40 = arith.index_cast %mul3A_39 : i32 to index
      %get3A_41 = tpu.vector_load %arg4[%get3A_40] {strides = array<i32>} : memref<512xi32, #tpu.memory_space<vmem>>, vector<16xi32>,
      %lt3A_42 = arith.constant 32 : i32
      %lt3A_43 = vector.broadcast %lt3A_42 : i32 to vector<16xi32>
      %lt3A_44 = arith.cmpi slt, %get3A_41, %lt3A_43 : vector<16xi32>
      %jit3A_45 = arith.constant 0 : i32
      %broadcast_in_dim3A_46 = vector.broadcast %jit3A_45 : i32 to vector<16xi32>
      %select_n3A_47 = arith.select %lt3A_44, %get3A_41, %broadcast_in_dim3A_46 : vector<16xi1>, vector<16xi32>
      %mul3A_48 = arith.constant 16 : i32
      %mul3A_49 = arith.muli %add3A_37, %mul3A_48 : i32
      %add3A_50 = vector.broadcast %mul3A_49 : i32 to vector<16xi32>
      %add3A_51 = arith.addi %add3A_50, %iota3A : vector<16xi32>
      tpu.vector_store_idx %arg5[%add3A_51, %select_n3A_47], %broadcast_in_dim3A_12 masked %lt3A_44 : memref<512x32xf32, #tpu.memory_space<vmem>>[vector<16xi32>, vector<16xi32>], vector<16xf32>, vector<16xi1>
      %mul3A_52 = arith.constant 4 : i32
      %mul3A_53 = arith.muli %scan3A_19, %mul3A_52 : i32
      %add3A_54 = arith.constant 2 : i32
      %add3A_55 = arith.addi %mul3A_53, %add3A_54 : i32
      %mul3A_56 = arith.constant 16 : i32
      %mul3A_57 = arith.muli %add3A_55, %mul3A_56 : i32
      %get3A_58 = arith.index_cast %mul3A_57 : i32 to index
      %get3A_59 = tpu.vector_load %arg4[%get3A_58] {strides = array<i32>} : memref<512xi32, #tpu.memory_space<vmem>>, vector<16xi32>,
      %lt3A_60 = arith.constant 32 : i32
      %lt3A_61 = vector.broadcast %lt3A_60 : i32 to vector<16xi32>
      %lt3A_62 = arith.cmpi slt, %get3A_59, %lt3A_61 : vector<16xi32>
      %jit3A_63 = arith.constant 0 : i32
      %broadcast_in_dim3A_64 = vector.broadcast %jit3A_63 : i32 to vector<16xi32>
      %select_n3A_65 = arith.select %lt3A_62, %get3A_59, %broadcast_in_dim3A_64 : vector<16xi1>, vector<16xi32>
      %mul3A_66 = arith.constant 16 : i32
      %mul3A_67 = arith.muli %add3A_55, %mul3A_66 : i32
      %add3A_68 = vector.broadcast %mul3A_67 : i32 to vector<16xi32>
      %add3A_69 = arith.addi %add3A_68, %iota3A : vector<16xi32>
      tpu.vector_store_idx %arg5[%add3A_69, %select_n3A_65], %broadcast_in_dim3A_12 masked %lt3A_62 : memref<512x32xf32, #tpu.memory_space<vmem>>[vector<16xi32>, vector<16xi32>], vector<16xf32>, vector<16xi1>
      %mul3A_70 = arith.constant 4 : i32
      %mul3A_71 = arith.muli %scan3A_19, %mul3A_70 : i32
      %add3A_72 = arith.constant 3 : i32
      %add3A_73 = arith.addi %mul3A_71, %add3A_72 : i32
      %mul3A_74 = arith.constant 16 : i32
      %mul3A_75 = arith.muli %add3A_73, %mul3A_74 : i32
      %get3A_76 = arith.index_cast %mul3A_75 : i32 to index
      %get3A_77 = tpu.vector_load %arg4[%get3A_76] {strides = array<i32>} : memref<512xi32, #tpu.memory_space<vmem>>, vector<16xi32>,
      %lt3A_78 = arith.constant 32 : i32
      %lt3A_79 = vector.broadcast %lt3A_78 : i32 to vector<16xi32>
      %lt3A_80 = arith.cmpi slt, %get3A_77, %lt3A_79 : vector<16xi32>
      %jit3A_81 = arith.constant 0 : i32
      %broadcast_in_dim3A_82 = vector.broadcast %jit3A_81 : i32 to vector<16xi32>
      %select_n3A_83 = arith.select %lt3A_80, %get3A_77, %broadcast_in_dim3A_82 : vector<16xi1>, vector<16xi32>
      %mul3A_84 = arith.constant 16 : i32
      %mul3A_85 = arith.muli %add3A_73, %mul3A_84 : i32
      %add3A_86 = vector.broadcast %mul3A_85 : i32 to vector<16xi32>
      %add3A_87 = arith.addi %add3A_86, %iota3A : vector<16xi32>
      tpu.vector_store_idx %arg5[%add3A_87, %select_n3A_83], %broadcast_in_dim3A_12 masked %lt3A_80 : memref<512x32xf32, #tpu.memory_space<vmem>>[vector<16xi32>, vector<16xi32>], vector<16xf32>, vector<16xi1>
    }
    %scan3A_18 = arith.constant 8 : i32
    "tpu.region"() ({
      %run_scoped3A = tpu.sem_alloc : memref<!tpu.dma_semaphore, #tpu.memory_space<semaphore_mem>>
      %dma_start3A_19 = arith.constant 0 : i32
      %dma_start3A_20 = tpu.memref_slice %arg3[%mul3A_2, %dma_start3A_19] : memref<16384x32xf32, #tpu.memory_space<hbm>> -> memref<512x32xf32, #tpu.memory_space<hbm>>
      %dma_start3A_21 = arith.constant 0 : i32
      %dma_start3A_22 = tpu.memref_slice %arg3[%mul3A_2, %dma_start3A_21] : memref<16384x32xf32, #tpu.memory_space<hbm>> -> memref<512x32xf32, #tpu.memory_space<hbm>>
      tpu.enqueue_dma source(%arg5 : memref<512x32xf32, #tpu.memory_space<vmem>>) target(%dma_start3A_22 : memref<512x32xf32, #tpu.memory_space<hbm>>) target_semaphore(%run_scoped3A : memref<!tpu.dma_semaphore, #tpu.memory_space<semaphore_mem>>)
      %dma_wait3A_23 = arith.constant 0 : i32
      %dma_wait3A_24 = tpu.memref_slice %arg3[%mul3A_2, %dma_wait3A_23] : memref<16384x32xf32, #tpu.memory_space<hbm>> -> memref<512x32xf32, #tpu.memory_space<hbm>>
      %dma_wait3A_25 = arith.constant 0 : i32
      %dma_wait3A_26 = tpu.memref_slice %arg3[%mul3A_2, %dma_wait3A_25] : memref<16384x32xf32, #tpu.memory_space<hbm>> -> memref<512x32xf32, #tpu.memory_space<hbm>>
      tpu.wait_dma2 semaphore(%run_scoped3A : memref<!tpu.dma_semaphore, #tpu.memory_space<semaphore_mem>>) src(%arg5 : memref<512x32xf32, #tpu.memory_space<vmem>>) dst(%dma_wait3A_26 : memref<512x32xf32, #tpu.memory_space<hbm>>)
      tpu.yield
    }) : () -> ()
    return
  }
}

</mosaic_0001>

<sc_bundles>
// kernel: kernel.3.cloned.1.call-start
scs
__scs_entry_jumppad:
0x0: {  	(pc) =	sbr.rel $0x88, $3  }
0x1: {  	(tag) =	ssettag $0x0;
	lr =	simm.s32 $0x1  }
0x2: {  	[smem:$0x3FA0] =	sst lr;
	_ =	strace $0xD0000000  }
0x3: {  	_ = 	snop  }
0x4: {  	_ = 	snop  }
0x5: {  	_ = 	snop  }
0x6: {  	_ = 	snop  }
0x7: {  	_ = 	snop  }
__scs_overlays_trampoline_lowered:
0x8: {  	[smem:$0x3FAF] =	sst s0  }
0x9: {  	[smem:$0x3FB0] =	sst s1  }
0xa: {  	[smem:$0x3FB1] =	sst s2  }
0xb: {  	[smem:$0x3FB2] =	sst s3  }
0xc: {  	[smem:$0x3FB3] =	sst s4  }
0xd: {  	[smem:$0x3FB4] =	sst s5  }
0xe: {  	[smem:$0x3FB5] =	sst s6  }
0xf: {  	[smem:$0x3FB6] =	sst s7  }
0x10: {  	[smem:$0x3FB7] =	sst s8  }
0x11: {  	[smem:$0x3FB8] =	sst s9;
	s0 =	simm.s32 @!p0 $0x0  }
0x12: {  	s1 =	sld [smem:$0x3F9E];
	s0 =	simm.s32 @p0 $0x1  }
0x13: {  	[smem:$0x3FB9] =	sst s0;
	s0 =	simm.s32 @!p1 $0x0  }
0x14: {  	s2 =	sld [smem:$0x3F9D];
	s0 =	simm.s32 @p1 $0x1  }
0x15: {  	[smem:$0x3FBA] =	sst s0;
	s0 =	simm.s32 @!p2 $0x0  }
0x16: {  	s3 =	sld [smem:$0x3FDB];
	s0 =	simm.s32 @p2 $0x1  }
0x17: {  	s4 =	simm.s32 $0x1BF5;
	[smem:$0x3FBC] =	sst s0  }
0x18: {  	s0 =	sld [smem:$0x3F9F];
	_ =	swait.ge [sflag:s4], $0x0  }
0x19: {  	s7 =	sld [smem:$0x3FA0]  }
0x1a: {  	s8 =	sadd.s32 $0xFFFFE003, lr  }
0x1b: {  	s9 =	sadd.s32 $0xFFFFFEF7, lr;
	s5 =	simm.s32 $0xFFFFFFFF;
	p2 =	slt.u32 s8, $0xFFFFF086  }
0x1c: {  	p1 =	slt.u32 s9, $0xF7A;
	s5 =	simm.s32 @!p2 $0x0  }
0x1d: {  	s5 =	simm.s32 @p1 $0x1;
	p0 =	seq.s32 s7, s2  }
0x1e: {  	s7 =	smul.u32 @!p0 $0xF7A, s2;
	p2 =	seq.s32 @!p0 s5, $0x0  }
0x1f: {  	s9 =	smul.u32 $0xF7A, s1;
	s8 =	simm.s32 @!p0 $0x1BF5;
	p2 =	por !p2, p0  }
0x20: {  	[sflag:s8] =	ssyncset.s32 @!p0 $0xFFFFF086;
	s6 =	sadd.s32 @!p0 s3, s7;
	s7 =	simm.s32 @!p0 $0x108  }
0x21: {  	s3 =	sadd.s32 s3, s9;
	s6 =	sadd.s32 @!p0 $0x88, s6;
	s7 =	simm.s32 @p2 $0x1082  }
0x22: {  	[simem:s7], [sflag:s8] =	dma.local @!p0 [hbm:s6], $0xF7A  }
0x23: {  	s9 =	sor.u32 $0xD0000000, s2;
	s6 =	simm.s32 $0x108;
	_ =	swait.ge @!p0 [sflag:s8], $0x0  }
0x24: {  	s3 =	sadd.s32 $0x88, s3;
	s6 =	simm.s32 @!p1 $0x1082;
	[sflag:s4] =	ssyncset.s32 $0xFFFFF086  }
0x25: {  	[simem:s6], [sflag:s4] =	dma.local [hbm:s3], $0xF7A  }
0x26: {  	[smem:$0x3FA0] =	sst s1;
	(tag) =	ssettag s2;
	_ =	strace s9  }
0x27: {  	s1 =	sld [smem:$0x3FB0]  }
0x28: {  	s2 =	sld [smem:$0x3FB1]  }
0x29: {  	s4 =	sld [smem:$0x3FB3]  }
0x2a: {  	p0 =	seq.s32 s5, $0x0;
	s5 =	sld [smem:$0x3FB4]  }
0x2b: {  	s6 =	sld [smem:$0x3FB5]  }
0x2c: {  	s7 =	sld [smem:$0x3FB6]  }
0x2d: {  	s3 =	simm.s32 $0x108;
	s8 =	sld [smem:$0x3FB7]  }
0x2e: {  	s3 =	simm.s32 @!p0 $0x1082;
	s9 =	sld [smem:$0x3FB8]  }
0x2f: {  	lr =	sadd.s32 s0, s3;
	s0 =	sld [smem:$0x3FAF]  }
0x30: {  	s3 =	sld [smem:$0x3FB2]  }
0x31: {  	[smem:$0x3FBB] =	sst s10  }
0x32: {  	s10 =	sld [smem:$0x3FB9];
	_ =	sdelay $0x3  }
0x33: {  	p0 =	seq.s32 s10, $0x1;
	s10 =	sld [smem:$0x3FBB];
	_ =	sdelay $0x3  }
0x34: {  	[smem:$0x3FBB] =	sst s10  }
0x35: {  	s10 =	sld [smem:$0x3FBA];
	_ =	sdelay $0x3  }
0x36: {  	p1 =	seq.s32 s10, $0x1;
	s10 =	sld [smem:$0x3FBB];
	_ =	sdelay $0x3  }
0x37: {  	[smem:$0x3FBB] =	sst s10  }
0x38: {  	s10 =	sld [smem:$0x3FBC]  }
0x39: {  	_ = 	snop;
	(pc) =	sbr.ind lr, $3  }
0x3a: {  	_ = 	snop  }
0x3b: {  	_ = 	snop  }
0x3c: {  	p2 =	seq.s32 s10, $0x1;
	s10 =	sld [smem:$0x3FBB]  }
0x3d: {  	_ =	shalt  }
0x3e: {  	_ =	shalt  }
0x3f: {  	_ =	shalt  }
0x40: {  	_ =	shalt  }
0x41: {  	_ =	shalt  }
0x42: {  	_ =	shalt  }
0x43: {  	_ =	shalt  }
0x44: {  	_ =	shalt  }
0x45: {  	_ =	shalt  }
0x46: {  	_ =	shalt  }
0x47: {  	_ =	shalt  }
0x48: {  	_ =	shalt  }
0x49: {  	_ =	shalt  }
0x4a: {  	_ =	shalt  }
0x4b: {  	_ =	shalt  }
0x4c: {  	_ =	shalt  }
0x4d: {  	_ =	shalt  }
0x4e: {  	_ =	shalt  }
0x4f: {  	_ =	shalt  }
0x50: {  	_ =	shalt  }
0x51: {  	_ =	shalt  }
0x52: {  	_ =	shalt  }
0x53: {  	_ =	shalt  }
0x54: {  	_ =	shalt  }
0x55: {  	_ =	shalt  }
0x56: {  	_ =	shalt  }
0x57: {  	_ =	shalt  }
0x58: {  	_ =	shalt  }
0x59: {  	_ =	shalt  }
0x5a: {  	_ =	shalt  }
0x5b: {  	_ =	shalt  }
0x5c: {  	_ =	shalt  }
0x5d: {  	_ =	shalt  }
0x5e: {  	_ =	shalt  }
0x5f: {  	_ =	shalt  }
0x60: {  	_ =	shalt  }
0x61: {  	_ =	shalt  }
0x62: {  	_ =	shalt  }
0x63: {  	_ =	shalt  }
0x64: {  	_ =	shalt  }
0x65: {  	_ =	shalt  }
0x66: {  	_ =	shalt  }
0x67: {  	_ =	shalt  }
0x68: {  	_ =	shalt  }
0x69: {  	_ =	shalt  }
0x6a: {  	_ =	shalt  }
0x6b: {  	_ =	shalt  }
0x6c: {  	_ =	shalt  }
0x6d: {  	_ =	shalt  }
0x6e: {  	_ =	shalt  }
0x6f: {  	_ =	shalt  }
0x70: {  	_ =	shalt  }
0x71: {  	_ =	shalt  }
0x72: {  	_ =	shalt  }
0x73: {  	_ =	shalt  }
0x74: {  	_ =	shalt  }
0x75: {  	_ =	shalt  }
0x76: {  	_ =	shalt  }
0x77: {  	_ =	shalt  }
0x78: {  	_ =	shalt  }
0x79: {  	_ =	shalt  }
0x7a: {  	_ =	shalt  }
0x7b: {  	_ =	shalt  }
0x7c: {  	_ =	shalt  }
0x7d: {  	_ =	shalt  }
0x7e: {  	_ =	shalt  }
0x7f: {  	_ =	shalt  }
0x80: {  	_ =	shalt  }
0x81: {  	_ =	shalt  }
0x82: {  	_ =	shalt  }
0x83: {  	_ =	shalt  }
0x84: {  	_ =	shalt  }
0x85: {  	_ =	shalt  }
0x86: {  	_ =	shalt  }
0x87: {  	_ =	shalt  }
.Lfunc_end0:
.L_simem_size_0:
called_computation_lowered:
.L_overlay_start_0:
0x88: {  	s2 =	sld [smem:$0x3FD9]  }
0x89: {  	s3 =	sld [smem:$0x3FFE];
	_ =	sdelay $0x1  }
0x8a: {  	s1 =	srdreg.scid  }
0x8b: {  	s0 =	sand.u32 $0x1, s1  }
0x8c: {  	s17 =	sshll.u32 s0, $0xA;
	s2 =	sadd.s32 s3, s2  }
0x8d: {  	s2 =	sadd.s32 s2, s17  }
0x8e: {  	[smem:$0x3FC7] =	sst s2  }
0x8f: {  	_ = 	snop  }
0x90: {  	s2 =	sld [smem:$0x3FC9];
	(tm) =	ssettm $0x1  }
0x91: {  	s18 =	sld [smem:$0x3FFB];
	_ =	sdelay $0x3  }
0x92: {  	_ =	strace s18  }
0x93: {  	s3 =	sld [smem:$0x3FFC];
	_ =	sdelay $0x3  }
0x94: {  	_ =	strace s3  }
0x95: {  	s3 =	sld [smem:$0x3FFD];
	_ =	sdelay $0x3  }
0x96: {  	_ =	strace s3  }
0x97: {  	_ =	strace $0x8FFFFFFF  }
0x98: {  	s19 =	sld [smem:$0x3FDB];
	_ =	sdelay $0x1  }
0x99: {  	s4 =	simm.s32 $_scs_section_size  }
0x9a: {  	s5 =	simm.s32 $_size__tile_overlayer_lowered;
	s6 =	simm.s32 $_tile_overlayer_lowered  }
0x9b: {  	s22 =	simm.s32 $0x1BFF;
	s21 =	sshll.u32 s6, $0x1;
	s3 =	sadd.s32 s4, s19  }
0x9c: {  	s7 =	simm.s32 $0x0;
	s20 =	sshll.u32 s5, $0x1;
	s5 =	sadd.s32 s21, s3  }
0x9d: {  	[timem:s7], [sflag:s22] =	dma.local [hbm:s5], s20  }
0x9e: {  	_ =	swait.ge [sflag:s22], s20  }
0x9f: {  	s4 =	ssub.s32 $0x0, s20;
	[sflag:s22] =	ssyncset.done $0x0  }
0xa0: {  	[sflag:s22] =	ssyncadd.s32 s4;
	_ =	sdelay $0x1  }
0xa1: {  	s23 =	simm.s32 $0x1B8B  }
0xa2: {  	_ =	swait.ge [sflag:s23], $0x1  }
0xa3: {  	[sflag:s23] =	ssyncset.done $0x0  }
0xa4: {  	s25 =	simm.s32 $0x1B8E;
	s24 =	sld [smem:$0x3FFE];
	[sflag:s23] =	ssyncadd.s32 $0xFFFFFFFF  }
0xa5: {  	s26 =	simm.s32 $execute0_lowered;
	[smem:$0x3FD2] =	sst s25  }
0xa6: {  	s5 =	sshll.u32 s26, $0x1;
	_ =	strace $0x80000046;
	[dreg:$0x1] =	wrdreg $0xFFFFFFFF  }
0xa7: {  	s28 =	simm.s32 $_size_execute0_lowered;
	s3 =	sadd.s32 s3, s5;
	[dreg:$0x0] =	wrdreg $0x0  }
0xa8: {  	s5 =	sshll.u32 s28, $0x1;
	[dreg:$0x2] =	wrdreg s3  }
0xa9: {  	[dreg:$0x3] =	wrdreg s5  }
0xaa: {  	[dreg:$0x4] =	wrdreg $0xC0  }
0xab: {  	_ =	task [dreg:s7], $0x5FFFF  }
0xac: {  	[dreg:$0x1] =	wrdreg $0xFFFFFFFF  }
0xad: {  	[dreg:$0x0] =	wrdreg $0x60  }
0xae: {  	[dreg:$0x2] =	wrdreg s2  }
0xaf: {  	[dreg:$0x3] =	wrdreg s24  }
0xb0: {  	[dreg:$0x4] =	wrdreg $0x9  }
0xb1: {  	_ =	task.clear_ibuf [dreg:s7], $0x5FFFF;
	_ =	strace $0x90000046  }
0xb2: {  	s29 =	simm.s32 $0x9;
	_ =	strace $0x80000048  }
0xb3: {  	_ =	swait.ge [sflag:s29], $0x1  }
0xb4: {  	[sflag:s29] =	ssyncadd.s32 $0xFFFFFFFF  }
0xb5: {  	_ =	strace $0x90000048  }
0xb6: {  	_ =	sfence  }
0xb7: {  	s30 =	sld [smem:$0x0];
	_ =	sdelay $0x2  }
0xb8: {  	s31 =	sshll.u32 s1, $0xD;
	s1 =	sshrl.u32 s1, $0x2  }
0xb9: {  	s3 =	sand.u32 $0x4000, s31;
	s1 =	sadd.s32 s1, s30  }
0xba: {  	s0 =	sor.u32 s3, s0;
	s1 =	sshll.u32 s1, $0x11  }
0xbb: {  	s0 =	sor.u32 s1, s0  }
0xbc: {  	s0 =	sadd.s32 $0x8F2B, s0  }
0xbd: {  	[sflag:s0] =	ssyncadd.remote.s32 $0x1  }
0xbe: {  	_ =	sfence.sel $0xFFFF  }
0xbf: {  	[dreg:$0x0] =	wrdreg $0xFFFFFFFF;
	(pc) =	sbr.abs _section_cstart, $3  }
0xc0: {  	[dreg:$0x1] =	wrdreg $0xFFFFFFFF  }
0xc1: {  	_ =	task.clear_ibuf [dreg:s7], $0x2FFFF;
	_ =	strace $0x9FFFFFFF  }
0xc2: {  	(tm) =	ssettm $0x7FFFFFFF  }
0xc3: {  	_ =	shalt  }
tec
execute0_lowered:
.L_overlay_start_1:
0x0: {  	(tag) =	ssettag $0x1  }
0x1: {  	s3 =	rddreg [dreg:$0x0]  }
0x2: {  	s4 =	rddreg [dreg:$0x1]  }
0x3: {  	s0 =	rddreg [dreg:$0x2];
	s5 =	srdreg.scid  }
0x4: {  	s2 =	simm.s32 $0x0;
	s1 =	stileid.u32;
	s5 =	sand.u32 $0x1, s5  }
0x5: {  	s9 =	simm.s32 $0x0;
	s6 =	sshll.u32 s1, $0xA;
	s7 =	sshll.u32 s5, $0x9  }
0x6: {  	[smem:$0x7FF] =	sst s2;
	s5 =	ssub.s32 $0x2, s5;
	s6 =	sor.u32 s7, s6  }
0x7: {  	_ =	strace $0x80000047;
	s8 =	sshrl.u32 s5, $0x1;
	s7 =	sshll.u32 s6, $0x4  }
0x8: {  	s6 =	sshrl.u32 s6, $0x3;
	s5 =	ssub.s32 s5, s8;
	s8 =	simm.s32 $0x2  }
0x9: {  	v1 =	vlaneseq.u32;
	s4 =	sadd.s32 s7, s4;
	s3 =	sadd.s32 s3, s6;
	s5 =	smax.u32 s5, $0x1  }
0xa: {  	v0 =	vimm.f32 $0.0e+00;
	v2 =	vimm.f32 $1.000000000e+00;
	v1 =	vmul.u32 $0x80, v1;
	s6 =	simm.s32 $0x1;
	s7 =	simm.s32 $0x200;
	s4 =	sadd.s32 $0x400, s4  }
.LBB2_1:
0xb: {  	[tilespmem:s2], [sflag:$0x1] =	stream.linear.gather [hbm4b:s3+s2], $0x200, $0x38;
	[tilespmem:$0x10200] =	vst v63  }
0xc: {  	s10 =	simm.s32 $0x0;
	s11 =	simm.s32 $0x1000  }
.LBB2_2:
0xd: {  	p0 =	sne.s32 s11, $0x3F000;
	[tilespmem:s10+$0x590] =	vst v0  }
0xe: {  	[tilespmem:s10+$0x200] =	vst v0  }
0xf: {  	[tilespmem:s10+$0x210] =	vst v0  }
0x10: {  	[tilespmem:s10+$0x280] =	vst v0  }
0x11: {  	[tilespmem:s10+$0x290] =	vst v0  }
0x12: {  	[tilespmem:s10+$0x300] =	vst v0  }
0x13: {  	[tilespmem:s10+$0x310] =	vst v0  }
0x14: {  	[tilespmem:s10+$0x380] =	vst v0  }
0x15: {  	[tilespmem:s10+$0x390] =	vst v0  }
0x16: {  	[tilespmem:s10+$0x400] =	vst v0  }
0x17: {  	[tilespmem:s10+$0x410] =	vst v0  }
.Ltmp0:
0x18: {  	[tilespmem:s10+$0x480] =	vst v0;
	(pc) =	sbr.rel @p0 .LBB2_2-.Ltmp0, $4  }
0x19: {  	[tilespmem:s10+$0x490] =	vst v0  }
0x1a: {  	[tilespmem:s10+$0x500] =	vst v0  }
0x1b: {  	[tilespmem:s10+$0x510] =	vst v0  }
0x1c: {  	[tilespmem:s10+$0x580] =	vst v0;
	s10 =	sshra.s32 s11, $0x2;
	s11 =	sadd.s32 $0x1000, s11  }
0x1d: {  	[tilespmem:s10+$0x590] =	vst v0  }
0x1e: {  	[tilespmem:s10+$0x200] =	vst v0  }
0x1f: {  	[tilespmem:s10+$0x210] =	vst v0  }
0x20: {  	[tilespmem:s10+$0x280] =	vst v0  }
0x21: {  	[tilespmem:s10+$0x290] =	vst v0  }
0x22: {  	[tilespmem:s10+$0x300] =	vst v0  }
0x23: {  	[tilespmem:s10+$0x310] =	vst v0  }
0x24: {  	[tilespmem:s10+$0x380] =	vst v0  }
0x25: {  	[tilespmem:s10+$0x390] =	vst v0  }
0x26: {  	[tilespmem:s10+$0x400] =	vst v0  }
0x27: {  	[tilespmem:s10+$0x410] =	vst v0  }
0x28: {  	[tilespmem:s10+$0x480] =	vst v0  }
0x29: {  	[tilespmem:s10+$0x490] =	vst v0  }
0x2a: {  	[tilespmem:s10+$0x500] =	vst v0  }
0x2b: {  	[tilespmem:s10+$0x510] =	vst v0  }
0x2c: {  	[tilespmem:s10+$0x580] =	vst v0  }
0x2d: {  	_ =	swait.ge [sflag:s6], $0x200  }
0x2e: {  	[sflag:s6] =	ssyncset.done $0x0  }
0x2f: {  	s10 =	simm.s32 $0x0;
	s11 =	simm.s32 $0x20;
	[sflag:s6] =	ssyncadd.s32 $0xFFFFFE00  }
.LBB2_4:
0x30: {  	v3 =	vld [tilespmem:s11+$0xFFFFFFE0];
	_ =	sdelay $0x4  }
0x31: {  	v4 =	vmov s10;
	vm0 =	vlt.s32 v3, $0x20  }
0x32: {  	v4 =	vshll.u32 v4, $0x7;
	v3 =	vnsel vm0, $0x0, v3  }
0x33: {  	v4 =	vor.u32 v1, v4;
	v5 =	vand.u32 $0xFFFFFF80, v3  }
0x34: {  	v3 =	vand.u32 $0x7F, v3;
	v4 =	vadd.s32 v4, v5  }
0x35: {  	v3 =	vor.u32 v3, v4;
	_ =	sdelay $0x4  }
0x36: {  	[tilespmem:v3+s7+$0x0] =	vst.idx.msk vm0, v2  }
0x37: {  	v3 =	vld [tilespmem:s11+$0xFFFFFFF0];
	_ =	sdelay $0x3  }
0x38: {  	s12 =	sadd.s32 $0x10, s10  }
0x39: {  	v58 =	vmov s12;
	vm13 =	vlt.s32 v3, $0x20  }
0x3a: {  	v4 =	vshll.u32 v58, $0x7;
	v3 =	vnsel vm13, $0x0, v3  }
0x3b: {  	v4 =	vor.u32 v1, v4;
	v59 =	vand.u32 $0xFFFFFF80, v3  }
0x3c: {  	v3 =	vand.u32 $0x7F, v3;
	v4 =	vadd.s32 v4, v59  }
0x3d: {  	v3 =	vor.u32 v3, v4;
	_ =	sdelay $0x4  }
0x3e: {  	[tilespmem:v3+s7+$0x0] =	vst.idx.msk vm13, v2  }
0x3f: {  	v3 =	vld [tilespmem:s11+$0x0];
	_ =	sdelay $0x3  }
0x40: {  	s30 =	sadd.s32 $0x20, s10  }
0x41: {  	v60 =	vmov s30;
	vm14 =	vlt.s32 v3, $0x20  }
0x42: {  	v4 =	vshll.u32 v60, $0x7;
	v3 =	vnsel vm14, $0x0, v3  }
0x43: {  	v4 =	vor.u32 v1, v4;
	v61 =	vand.u32 $0xFFFFFF80, v3  }
0x44: {  	v3 =	vand.u32 $0x7F, v3;
	v4 =	vadd.s32 v4, v61  }
0x45: {  	v3 =	vor.u32 v3, v4;
	_ =	sdelay $0x4  }
0x46: {  	[tilespmem:v3+s7+$0x0] =	vst.idx.msk vm14, v2  }
0x47: {  	v3 =	vld [tilespmem:s11+$0x10];
	_ =	sdelay $0x3  }
0x48: {  	s31 =	sadd.s32 $0x30, s10  }
0x49: {  	v62 =	vmov s31;
	vm15 =	vlt.s32 v3, $0x20  }
0x4a: {  	v4 =	vshll.u32 v62, $0x7;
	v3 =	vnsel vm15, $0x0, v3  }
0x4b: {  	v4 =	vor.u32 v1, v4;
	v63 =	vand.u32 $0xFFFFFF80, v3  }
0x4c: {  	v3 =	vand.u32 $0x7F, v3;
	v4 =	vadd.s32 v4, v63  }
0x4d: {  	p0 =	sne.s32 s10, $0x1C0;
	v3 =	vor.u32 v3, v4  }
.Ltmp1:
0x4e: {  	_ = 	snop;
	(pc) =	sbr.rel @p0 .LBB2_4-.Ltmp1, $2  }
0x4f: {  	_ =	sdelay $0x2  }
0x50: {  	s10 =	sadd.s32 $0x40, s10;
	s11 =	sadd.s32 $0x40, s11;
	[tilespmem:v3+s7+$0x0] =	vst.idx.msk vm15, v2  }
0x51: {  	s9 =	sadd.s32 $0x1, s9  }
0x52: {  	p0 =	sne.s32 s9, s5  }
.Ltmp2:
0x53: {  	_ = 	snop;
	(pc) =	sbr.rel @p0 .LBB2_1-.Ltmp2, $4  }
0x54: {  	[hbm4b:s4+s2] =	stream.linear.scatter [tilespmem:s7], [sflag:$0x2], $0x10000, $0x38;
	[tilespmem:$0x10200] =	vst v63  }
0x55: {  	_ =	swait.ge [sflag:s8], $0x10000  }
0x56: {  	[sflag:s8] =	ssyncset.done $0x0  }
0x57: {  	[sflag:s8] =	ssyncadd.s32 $0xFFFF0000  }
0x58: {  	_ =	sfence.sel $0x180000  }
0x59: {  	[bflag:$0x0] =	sbarrier.arrive $0xFFFF  }
0x5a: {  	p0 =	sne.s32 s1, $0x0;
	_ =	strace $0x90000047  }
0x5b: {  	s0 =	sadd.s32 @!p0 $0x100000, s0;
	[bflag:$0x2] =	sbarrier.arrive $0xFFFF  }
0x5c: {  	[sflag:s0] =	ssyncadd.tile.s32 @!p0 $0x1;
	_ =	shalt  }
.Lfunc_end2:
_tile_overlayer_lowered:
.L_overlay_start_2:
0x5d: {  	(tag) =	ssettag $0x2  }
0x5e: {  	s0 =	rddreg [dreg:$0x0];
	s2 =	stileid.u32  }
0x5f: {  	s1 =	rddreg [dreg:$0x1];
	p0 =	sne.s32 s2, $0x0  }
0x60: {  	s3 =	rddreg [dreg:$0x2];
	[bflag:$0x3] =	sbarrier.arrive $0xFFFF;
	s2 =	simm.s32 @!p0 $0x1C02  }
0x61: {  	[timem:s3], [sflag:s2] =	dma.local @!p0 [hbm:s0], s1  }
0x62: {  	s0 =	simm.s32 @!p0 $0x2  }
0x63: {  	_ =	swait.ge @!p0 [sflag:s0], s1  }
0x64: {  	s1 =	ssub.s32 @!p0 $0x0, s1;
	[sflag:s0] =	ssyncset.done @!p0 $0x0  }
0x65: {  	[sflag:s0] =	ssyncadd.s32 @!p0 s1  }
0x66: {  	[bflag:$0x3] =	sbarrier.arrive $0xFFFF  }
0x67: {  	_ =	shalt  }

</sc_bundles>
